<compile_context>
chip_gen: v7x
topology: tpu7x:2x2x1
jax: 0.10.2.dev20260603
libtpu: 0.0.44.dev20260713+nightly
codegen_flags: <defaults>
</compile_context>

<pallas_src>
import functools

import jax
import jax.numpy as jnp
from jax import lax
from jax.experimental import pallas as pl
from jax.experimental.pallas import tpu as pltpu
from jax.experimental.pallas import tpu_sc as plsc

_B, _N, _D, _R = 4, 2048, 256, 3
_RN = _R * _N
_BN = 512
_NB = _N // _BN
_KEEP_RATIO = 0.5


def _fused_body(bias_ref, w_ref, adj_ref, nums_ref, nodes_ref, nodesf_ref,
                s_ref, ranks_ref, hidden_ref,
                srow_scr, scol_scr, vcol_scr):
    b = pl.program_id(0)
    nb = pl.program_id(1)

    @pl.when((b < _B) & (nb == 0))
    def _xw_stage():
        w2 = jnp.transpose(w_ref[..., 0], (1, 0)).astype(jnp.bfloat16)
        xwb = lax.dot_general(nodesf_ref[0], w2,
                              (((1,), (0,)), ((), ())),
                              preferred_element_type=jnp.float32)
        xw_bf = xwb.astype(jnp.bfloat16)
        vcol_scr[...] = jnp.concatenate(
            [xw_bf[:, 0:1], xw_bf[:, 1:2], xw_bf[:, 2:3]], axis=0)

    @pl.when(b > 0)
    def _rank_stage():
        srow = srow_scr[(b - 1) % 2]
        scol = scol_scr[pl.ds(nb * _BN, _BN), :]
        jpos = lax.broadcasted_iota(jnp.int32, (_BN, _N), 1)
        ipos = lax.broadcasted_iota(jnp.int32, (_BN, _N), 0) + nb * _BN
        before = (srow > scol) | ((srow == scol) & (jpos < ipos))
        ones_n = jnp.ones((_N, 1), jnp.float32)
        cnt = lax.dot_general(before.astype(jnp.float32), ones_n,
                              (((1,), (0,)), ((), ())),
                              preferred_element_type=jnp.float32)
        ranks_col = cnt.astype(jnp.int32)
        k = (nums_ref[b - 1] + 1) // 2
        mask_col = ranks_col < k
        ranksm = jnp.where(mask_col, ranks_col, _N)
        ranks_ref[pl.ds(nb * _BN, _BN)] = ranksm.reshape(_BN)
        sm_col = jnp.where(mask_col, scol, 0.0)
        hidden_ref[0] = nodes_ref[0] * sm_col

    @pl.when(b < _B)
    def _conv_stage():
        a = adj_ref[0]
        acat = jnp.concatenate([a[0], a[1], a[2]], axis=1)
        vcol = vcol_scr[...]
        x = lax.dot_general(acat, vcol, (((1,), (0,)), ((), ())),
                            preferred_element_type=jnp.float32)
        s_col = jnp.tanh(x + bias_ref[0])
        s_row = s_col.reshape(_BN)
        s_ref[pl.ds(nb * _BN, _BN)] = s_row
        srow_scr[b % 2, 0, pl.ds(nb * _BN, _BN)] = s_row
        scol_scr[pl.ds(nb * _BN, _BN), :] = s_col


def _fused(bias, W, adjacency, nums, nodes):
    return pl.pallas_call(
        _fused_body,
        grid=(_B + 1, _NB),
        in_specs=[
            pl.BlockSpec(memory_space=pltpu.SMEM),
            pl.BlockSpec((_R, _D, 1), lambda b, nb: (0, 0, 0)),
            pl.BlockSpec((1, _R, _BN, _N),
                         lambda b, nb: (jnp.minimum(b, _B - 1), 0,
                                        jnp.where(b == _B, _NB - 1, nb), 0)),
            pl.BlockSpec(memory_space=pltpu.SMEM),
            pl.BlockSpec((1, _BN, _D),
                         lambda b, nb: (jnp.maximum(b - 1, 0),
                                        jnp.where(b == 0, 0, nb), 0)),
            pl.BlockSpec((1, _N, _D), lambda b, nb: (jnp.minimum(b, _B - 1), 0, 0)),
        ],
        out_specs=[
            pl.BlockSpec((_N,), lambda b, nb: (jnp.minimum(b, _B - 1),)),
            pl.BlockSpec((_N,), lambda b, nb: (jnp.maximum(b - 1, 0),)),
            pl.BlockSpec((1, _BN, _D),
                         lambda b, nb: (jnp.maximum(b - 1, 0),
                                        jnp.where(b == 0, 0, nb), 0)),
        ],
        out_shape=[
            jax.ShapeDtypeStruct((_B * _N,), jnp.float32),
            jax.ShapeDtypeStruct((_B * _N,), jnp.int32),
            jax.ShapeDtypeStruct((_B, _N, _D), jnp.float32),
        ],
        scratch_shapes=[
            pltpu.VMEM((2, 1, _N), jnp.float32),
            pltpu.VMEM((_N, 1), jnp.float32),
            pltpu.VMEM((_RN, 1), jnp.bfloat16),
        ],
    )(bias, W, adjacency, nums, nodes, nodes)


def _sc_scatter(ranks_f, scores_f):
    info = plsc.get_sparse_core_info()
    nw = info.num_cores * info.num_subcores
    lanes = info.num_lanes
    chunks = nw // _B
    cw = _N // chunks

    @functools.partial(
        pl.kernel,
        out_type=(jax.ShapeDtypeStruct((_B, _N), jnp.int32),
                  jax.ShapeDtypeStruct((_B, _N), jnp.float32)),
        mesh=plsc.VectorSubcoreMesh(core_axis_name="c", subcore_axis_name="s"),
        compiler_params=pltpu.CompilerParams(needs_layout_passes=False),
        scratch_types=[
            pltpu.VMEM((_N,), jnp.int32),
            pltpu.VMEM((_N,), jnp.float32),
            pltpu.VMEM((_N,), jnp.int32),
            pltpu.VMEM((_N,), jnp.float32),
            pltpu.SemaphoreType.DMA,
        ],
    )
    def scatter_kernel(ranks_hbm, scores_hbm, kni_hbm, kns_hbm,
                       rk_v, sc_v, oi_v, os_v, sem):
        wid = lax.axis_index("s") * info.num_cores + lax.axis_index("c")
        bb = wid // chunks
        ck = wid % chunks
        c1 = pltpu.async_copy(ranks_hbm.at[pl.ds(bb * _N, _N)], rk_v, sem)
        c2 = pltpu.async_copy(scores_hbm.at[pl.ds(bb * _N, _N)], sc_v, sem)

        def init_body(i, carry):
            oi_v[pl.ds(i * lanes, lanes)] = jnp.full((lanes,), -1, jnp.int32)
            os_v[pl.ds(i * lanes, lanes)] = jnp.zeros((lanes,), jnp.float32)
            return carry

        lax.fori_loop(0, _N // lanes, init_body, 0)
        c1.wait()
        c2.wait()
        base_iota = lax.iota(jnp.int32, lanes)
        unroll = 4

        def scat_body(i, carry):
            for u in range(unroll):
                off = i * (lanes * unroll) + u * lanes
                idx = rk_v[pl.ds(off, lanes)]
                m = idx < _N
                plsc.store_scatter(oi_v, [idx], base_iota + off, mask=m)
                plsc.store_scatter(os_v, [idx], sc_v[pl.ds(off, lanes)], mask=m)
            return carry

        lax.fori_loop(0, _N // (lanes * unroll), scat_body, 0)
        o1 = pltpu.async_copy(oi_v.at[pl.ds(ck * cw, cw)],
                              kni_hbm.at[bb, pl.ds(ck * cw, cw)], sem)
        o2 = pltpu.async_copy(os_v.at[pl.ds(ck * cw, cw)],
                              kns_hbm.at[bb, pl.ds(ck * cw, cw)], sem)
        o1.wait()
        o2.wait()

    return scatter_kernel(ranks_f, scores_f)


def kernel(nodes, adjacency, batch_node_nums, W, b):
    keep_num = jnp.ceil(_KEEP_RATIO * batch_node_nums.astype(jnp.float32)).astype(jnp.int32)

    scores_f, ranks_f, hidden = _fused(b, W, adjacency, batch_node_nums, nodes)
    kni, kns = _sc_scatter(ranks_f, scores_f)
    return (hidden, keep_num, kni, kns)

# --- scband reference (transcript-rebuilt; emitter-appended) ---
"""Pipeline reference for scband-self-attention-pooling-13134009991570 (READ-ONLY COPY).

The authoritative reference and input builder live on the scoring server;
editing this copy changes nothing except your own understanding.
"""

import jax, jax.numpy as jnp
import numpy as np

B, N, D, R = 4, 2048, 256, 3
KEEP_RATIO = 0.5


def setup_inputs(seed: int = 0) -> dict:
    key = jax.random.key(seed)
    k1, k2, k3, k4 = jax.random.split(key, 4)
    nodes = jax.random.normal(k1, (B, N, D), dtype=jnp.float32)
    adjacency = jax.random.uniform(k2, (B, R, N, N), dtype=jnp.float32)
    batch_node_nums = jax.random.randint(k3, (B,), 0, 2048, dtype=jnp.int32)
    # RelationGraph(input_dim=D, out=1, relation_cnt=R) parameters: one weight per relation + bias
    W = jax.random.normal(k4, (R, D, 1), dtype=jnp.float32) * (1.0 / np.sqrt(D))
    b = jnp.zeros((1,), dtype=jnp.float32)
    return {"nodes": nodes, "adjacency": adjacency, "batch_node_nums": batch_node_nums, "W": W, "b": b}


def _relation_graph(nodes, adjacency, W, b):
    # sum_r  A_r @ (X @ W_r) + b   ->  [B, N, 1]
    xw = jnp.einsum('bmd,rdo->brmo', nodes, W)          # [B, R, N, 1]
    out = jnp.einsum('brnm,brmo->bno', adjacency, xw)    # [B, N, 1]
    return out + b


def reference(nodes, adjacency, batch_node_nums, W, b):
    attn_score = _relation_graph(nodes, adjacency, W, b).squeeze(-1)  # [B, N]
    attn_score = jnp.tanh(attn_score)
    keep_graph_node_num = jnp.ceil(KEEP_RATIO * batch_node_nums.astype(jnp.float32)).astype(jnp.int32)
    sorted_index = jnp.argsort(-attn_score, axis=-1)                   # descending
    sorted_score = jnp.take_along_axis(attn_score, sorted_index, axis=-1)
    pos = jnp.arange(N)[None, :]
    keep = pos < keep_graph_node_num[:, None]                          # [B, N] bool over sorted positions
    mask = jnp.zeros((B, N), dtype=bool).at[jnp.arange(B)[:, None], sorted_index].set(keep)
    # torch returns ragged nodes[mask]*attn[mask]; JAX equivalent: dense masked hidden [B, N, D]
    hidden = nodes * attn_score[..., None] * mask[..., None].astype(nodes.dtype)
    keep_node_index = jnp.where(keep, sorted_index, -1)                # padded with -1
    keep_node_score = jnp.where(keep, sorted_score, 0.0)               # padded with 0
    return (hidden, keep_graph_node_num, keep_node_index, keep_node_score)

if __name__ == "__main__":
    import jax
    _d = setup_inputs()
    print(jax.jit(kernel)(*tuple(_d.values())))

</pallas_src>

<mosaic_0001>
#map = affine_map<(d0, d1) -> (0)>
#map1 = affine_map<(d0, d1) -> (0, 0)>
module attributes {stable_mosaic.version = 14 : i64} {
  func.func @scatter_kernel(%arg0: i32, %arg1: i32, %arg2: memref<8192xi32, #tpu.memory_space<hbm>>, %arg3: memref<8192xf32, #tpu.memory_space<hbm>>, %arg4: memref<4x2048xi32, #tpu.memory_space<hbm>>, %arg5: memref<4x2048xf32, #tpu.memory_space<hbm>>, %arg6: memref<2048xi32, #tpu.memory_space<vmem>>, %arg7: memref<2048xf32, #tpu.memory_space<vmem>>, %arg8: memref<2048xi32, #tpu.memory_space<vmem>>, %arg9: memref<2048xf32, #tpu.memory_space<vmem>>, %arg10: memref<!tpu.dma_semaphore, #tpu.memory_space<semaphore_mem>>) attributes {dimension_semantics = [#tpu.dimension_semantics<core_parallel>, #tpu.dimension_semantics<subcore_parallel>], iteration_bounds = array<i64: 2, 16>, scalar_prefetch = 0 : i64, scratch_operands = 5 : i64, tpu.core_type = #tpu.core_type<sc_vector_subcore>, window_params = [{transform_indices = #map}, {transform_indices = #map}, {transform_indices = #map1}, {transform_indices = #map1}]} {
    %mul3A = arith.constant 2 : i32
    %mul3A_0 = arith.muli %arg1, %mul3A : i32
    %add3A = arith.addi %mul3A_0, %arg0 : i32
    %jit3A = arith.constant 8 : i32
    %div3A = arith.divsi %add3A, %jit3A : i32
    %sign3A = arith.constant 0 : i32
    %sign3A_1 = arith.cmpi sgt, %add3A, %sign3A : i32
    %sign3A_2 = arith.extui %sign3A_1 : i1 to i32
    %sign3A_3 = arith.constant 0 : i32
    %sign3A_4 = arith.cmpi slt, %add3A, %sign3A_3 : i32
    %sign3A_5 = arith.extui %sign3A_4 : i1 to i32
    %sign3A_6 = arith.subi %sign3A_2, %sign3A_5 : i32
    %sign3A_7 = arith.constant 0 : i32
    %sign3A_8 = arith.cmpi sgt, %jit3A, %sign3A_7 : i32
    %sign3A_9 = arith.extui %sign3A_8 : i1 to i32
    %sign3A_10 = arith.constant 0 : i32
    %sign3A_11 = arith.cmpi slt, %jit3A, %sign3A_10 : i32
    %sign3A_12 = arith.extui %sign3A_11 : i1 to i32
    %sign3A_13 = arith.subi %sign3A_9, %sign3A_12 : i32
    %ne3A = arith.cmpi ne, %sign3A_6, %sign3A_13 : i32
    %rem3A = arith.remsi %add3A, %jit3A : i32
    %ne3A_14 = arith.constant 0 : i32
    %ne3A_15 = arith.cmpi ne, %rem3A, %ne3A_14 : i32
    %and3A = arith.andi %ne3A, %ne3A_15 : i1
    %sub3A = arith.constant 1 : i32
    %sub3A_16 = arith.subi %div3A, %sub3A : i32
    %select_n3A = arith.select %and3A, %sub3A_16, %div3A : i32
    %jit3A_17 = arith.constant 8 : i32
    %eq3A = arith.constant 0 : i32
    %eq3A_18 = arith.cmpi eq, %jit3A_17, %eq3A : i32
    %jit3A_19 = arith.constant 1 : i32
    %select_n3A_20 = arith.select %eq3A_18, %jit3A_19, %jit3A_17 : i32
    %rem3A_21 = arith.remsi %add3A, %select_n3A_20 : i32
    %ne3A_22 = arith.constant 0 : i32
    %ne3A_23 = arith.cmpi ne, %rem3A_21, %ne3A_22 : i32
    %lt3A = arith.constant 0 : i32
    %lt3A_24 = arith.cmpi slt, %rem3A_21, %lt3A : i32
    %lt3A_25 = arith.constant 0 : i32
    %lt3A_26 = arith.cmpi slt, %select_n3A_20, %lt3A_25 : i32
    %ne3A_27 = arith.xori %lt3A_24, %lt3A_26 : i1
    %and3A_28 = arith.andi %ne3A_27, %ne3A_23 : i1
    %add3A_29 = arith.addi %rem3A_21, %select_n3A_20 : i32
    %select_n3A_30 = arith.select %and3A_28, %add3A_29, %rem3A_21 : i32
    %mul3A_31 = arith.constant 2048 : i32
    %mul3A_32 = arith.muli %select_n3A, %mul3A_31 : i32
    %dma_start3A = tpu.memref_slice %arg2[%mul3A_32] : memref<8192xi32, #tpu.memory_space<hbm>> -> memref<2048xi32, #tpu.memory_space<hbm>>
    %dma_start3A_33 = tpu.memref_slice %arg2[%mul3A_32] : memref<8192xi32, #tpu.memory_space<hbm>> -> memref<2048xi32, #tpu.memory_space<hbm>>
    tpu.enqueue_dma source(%dma_start3A_33 : memref<2048xi32, #tpu.memory_space<hbm>>) target(%arg6 : memref<2048xi32, #tpu.memory_space<vmem>>) target_semaphore(%arg10 : memref<!tpu.dma_semaphore, #tpu.memory_space<semaphore_mem>>)
    %mul3A_34 = arith.constant 2048 : i32
    %mul3A_35 = arith.muli %select_n3A, %mul3A_34 : i32
    %dma_start3A_36 = tpu.memref_slice %arg3[%mul3A_35] : memref<8192xf32, #tpu.memory_space<hbm>> -> memref<2048xf32, #tpu.memory_space<hbm>>
    %dma_start3A_37 = tpu.memref_slice %arg3[%mul3A_35] : memref<8192xf32, #tpu.memory_space<hbm>> -> memref<2048xf32, #tpu.memory_space<hbm>>
    tpu.enqueue_dma source(%dma_start3A_37 : memref<2048xf32, #tpu.memory_space<hbm>>) target(%arg7 : memref<2048xf32, #tpu.memory_space<vmem>>) target_semaphore(%arg10 : memref<!tpu.dma_semaphore, #tpu.memory_space<semaphore_mem>>)
    %scan3A = arith.constant 0 : i32
    %scan3A_38 = arith.constant 0 : i32
    %scan3A_39 = arith.constant 128 : i32
    %scan3A_40 = arith.addi %scan3A_38, %scan3A_39 : i32
    %scan3A_41 = arith.constant 1 : i32
    scf.for %scan3A_84 = %scan3A_38 to %scan3A_40 step %scan3A_41  : i32 {
      %broadcast_in_dim3A = arith.constant -1 : i32
      %broadcast_in_dim3A_85 = vector.broadcast %broadcast_in_dim3A : i32 to vector<16xi32>
      %mul3A_86 = arith.constant 16 : i32
      %mul3A_87 = arith.muli %scan3A_84, %mul3A_86 : i32
      %swap3A = arith.index_cast %mul3A_87 : i32 to index
      %swap3A_88 = tpu.vector_load %arg8[%swap3A] {strides = array<i32>} : memref<2048xi32, #tpu.memory_space<vmem>>, vector<16xi32>,
      tpu.vector_store %arg8[%swap3A], %broadcast_in_dim3A_85 {strides = array<i32>} : memref<2048xi32, #tpu.memory_space<vmem>>, vector<16xi32>,
      %broadcast_in_dim3A_89 = arith.constant 0.000000e+00 : f32
      %broadcast_in_dim3A_90 = vector.broadcast %broadcast_in_dim3A_89 : f32 to vector<16xf32>
      %mul3A_91 = arith.constant 16 : i32
      %mul3A_92 = arith.muli %scan3A_84, %mul3A_91 : i32
      %swap3A_93 = arith.index_cast %mul3A_92 : i32 to index
      %swap3A_94 = tpu.vector_load %arg9[%swap3A_93] {strides = array<i32>} : memref<2048xf32, #tpu.memory_space<vmem>>, vector<16xf32>,
      tpu.vector_store %arg9[%swap3A_93], %broadcast_in_dim3A_90 {strides = array<i32>} : memref<2048xf32, #tpu.memory_space<vmem>>, vector<16xf32>,
    }
    %scan3A_42 = arith.constant 128 : i32
    %dma_wait3A = tpu.memref_slice %arg2[%mul3A_32] : memref<8192xi32, #tpu.memory_space<hbm>> -> memref<2048xi32, #tpu.memory_space<hbm>>
    %dma_wait3A_43 = tpu.memref_slice %arg2[%mul3A_32] : memref<8192xi32, #tpu.memory_space<hbm>> -> memref<2048xi32, #tpu.memory_space<hbm>>
    tpu.wait_dma2 semaphore(%arg10 : memref<!tpu.dma_semaphore, #tpu.memory_space<semaphore_mem>>) src(%dma_wait3A_43 : memref<2048xi32, #tpu.memory_space<hbm>>) dst(%arg6 : memref<2048xi32, #tpu.memory_space<vmem>>)
    %dma_wait3A_44 = tpu.memref_slice %arg3[%mul3A_35] : memref<8192xf32, #tpu.memory_space<hbm>> -> memref<2048xf32, #tpu.memory_space<hbm>>
    %dma_wait3A_45 = tpu.memref_slice %arg3[%mul3A_35] : memref<8192xf32, #tpu.memory_space<hbm>> -> memref<2048xf32, #tpu.memory_space<hbm>>
    tpu.wait_dma2 semaphore(%arg10 : memref<!tpu.dma_semaphore, #tpu.memory_space<semaphore_mem>>) src(%dma_wait3A_45 : memref<2048xf32, #tpu.memory_space<hbm>>) dst(%arg7 : memref<2048xf32, #tpu.memory_space<vmem>>)
    %iota3A = tpu.iota {dimensions = array<i32: 0>} : vector<16xi32>
    %scan3A_46 = arith.constant 0 : i32
    %scan3A_47 = arith.constant 0 : i32
    %scan3A_48 = arith.constant 32 : i32
    %scan3A_49 = arith.addi %scan3A_47, %scan3A_48 : i32
    %scan3A_50 = arith.constant 1 : i32
    scf.for %scan3A_84 = %scan3A_47 to %scan3A_49 step %scan3A_50  : i32 {
      %mul3A_85 = arith.constant 64 : i32
      %mul3A_86 = arith.muli %scan3A_84, %mul3A_85 : i32
      %add3A_87 = arith.constant 0 : i32
      %add3A_88 = arith.addi %mul3A_86, %add3A_87 : i32
      %get3A = arith.index_cast %add3A_88 : i32 to index
      %get3A_89 = tpu.vector_load %arg6[%get3A] {strides = array<i32>} : memref<2048xi32, #tpu.memory_space<vmem>>, vector<16xi32>,
      %lt3A_90 = arith.constant 2048 : i32
      %lt3A_91 = vector.broadcast %lt3A_90 : i32 to vector<16xi32>
      %lt3A_92 = arith.cmpi slt, %get3A_89, %lt3A_91 : vector<16xi32>
      %add3A_93 = vector.broadcast %add3A_88 : i32 to vector<16xi32>
      %add3A_94 = arith.addi %iota3A, %add3A_93 : vector<16xi32>
      tpu.vector_store_idx %arg8[%get3A_89], %add3A_94 masked %lt3A_92 : memref<2048xi32, #tpu.memory_space<vmem>>[vector<16xi32>], vector<16xi32>, vector<16xi1>
      %get3A_95 = arith.index_cast %add3A_88 : i32 to index
      %get3A_96 = tpu.vector_load %arg7[%get3A_95] {strides = array<i32>} : memref<2048xf32, #tpu.memory_space<vmem>>, vector<16xf32>,
      tpu.vector_store_idx %arg9[%get3A_89], %get3A_96 masked %lt3A_92 : memref<2048xf32, #tpu.memory_space<vmem>>[vector<16xi32>], vector<16xf32>, vector<16xi1>
      %mul3A_97 = arith.constant 64 : i32
      %mul3A_98 = arith.muli %scan3A_84, %mul3A_97 : i32
      %add3A_99 = arith.constant 16 : i32
      %add3A_100 = arith.addi %mul3A_98, %add3A_99 : i32
      %get3A_101 = arith.index_cast %add3A_100 : i32 to index
      %get3A_102 = tpu.vector_load %arg6[%get3A_101] {strides = array<i32>} : memref<2048xi32, #tpu.memory_space<vmem>>, vector<16xi32>,
      %lt3A_103 = arith.constant 2048 : i32
      %lt3A_104 = vector.broadcast %lt3A_103 : i32 to vector<16xi32>
      %lt3A_105 = arith.cmpi slt, %get3A_102, %lt3A_104 : vector<16xi32>
      %add3A_106 = vector.broadcast %add3A_100 : i32 to vector<16xi32>
      %add3A_107 = arith.addi %iota3A, %add3A_106 : vector<16xi32>
      tpu.vector_store_idx %arg8[%get3A_102], %add3A_107 masked %lt3A_105 : memref<2048xi32, #tpu.memory_space<vmem>>[vector<16xi32>], vector<16xi32>, vector<16xi1>
      %get3A_108 = arith.index_cast %add3A_100 : i32 to index
      %get3A_109 = tpu.vector_load %arg7[%get3A_108] {strides = array<i32>} : memref<2048xf32, #tpu.memory_space<vmem>>, vector<16xf32>,
      tpu.vector_store_idx %arg9[%get3A_102], %get3A_109 masked %lt3A_105 : memref<2048xf32, #tpu.memory_space<vmem>>[vector<16xi32>], vector<16xf32>, vector<16xi1>
      %mul3A_110 = arith.constant 64 : i32
      %mul3A_111 = arith.muli %scan3A_84, %mul3A_110 : i32
      %add3A_112 = arith.constant 32 : i32
      %add3A_113 = arith.addi %mul3A_111, %add3A_112 : i32
      %get3A_114 = arith.index_cast %add3A_113 : i32 to index
      %get3A_115 = tpu.vector_load %arg6[%get3A_114] {strides = array<i32>} : memref<2048xi32, #tpu.memory_space<vmem>>, vector<16xi32>,
      %lt3A_116 = arith.constant 2048 : i32
      %lt3A_117 = vector.broadcast %lt3A_116 : i32 to vector<16xi32>
      %lt3A_118 = arith.cmpi slt, %get3A_115, %lt3A_117 : vector<16xi32>
      %add3A_119 = vector.broadcast %add3A_113 : i32 to vector<16xi32>
      %add3A_120 = arith.addi %iota3A, %add3A_119 : vector<16xi32>
      tpu.vector_store_idx %arg8[%get3A_115], %add3A_120 masked %lt3A_118 : memref<2048xi32, #tpu.memory_space<vmem>>[vector<16xi32>], vector<16xi32>, vector<16xi1>
      %get3A_121 = arith.index_cast %add3A_113 : i32 to index
      %get3A_122 = tpu.vector_load %arg7[%get3A_121] {strides = array<i32>} : memref<2048xf32, #tpu.memory_space<vmem>>, vector<16xf32>,
      tpu.vector_store_idx %arg9[%get3A_115], %get3A_122 masked %lt3A_118 : memref<2048xf32, #tpu.memory_space<vmem>>[vector<16xi32>], vector<16xf32>, vector<16xi1>
      %mul3A_123 = arith.constant 64 : i32
      %mul3A_124 = arith.muli %scan3A_84, %mul3A_123 : i32
      %add3A_125 = arith.constant 48 : i32
      %add3A_126 = arith.addi %mul3A_124, %add3A_125 : i32
      %get3A_127 = arith.index_cast %add3A_126 : i32 to index
      %get3A_128 = tpu.vector_load %arg6[%get3A_127] {strides = array<i32>} : memref<2048xi32, #tpu.memory_space<vmem>>, vector<16xi32>,
      %lt3A_129 = arith.constant 2048 : i32
      %lt3A_130 = vector.broadcast %lt3A_129 : i32 to vector<16xi32>
      %lt3A_131 = arith.cmpi slt, %get3A_128, %lt3A_130 : vector<16xi32>
      %add3A_132 = vector.broadcast %add3A_126 : i32 to vector<16xi32>
      %add3A_133 = arith.addi %iota3A, %add3A_132 : vector<16xi32>
      tpu.vector_store_idx %arg8[%get3A_128], %add3A_133 masked %lt3A_131 : memref<2048xi32, #tpu.memory_space<vmem>>[vector<16xi32>], vector<16xi32>, vector<16xi1>
      %get3A_134 = arith.index_cast %add3A_126 : i32 to index
      %get3A_135 = tpu.vector_load %arg7[%get3A_134] {strides = array<i32>} : memref<2048xf32, #tpu.memory_space<vmem>>, vector<16xf32>,
      tpu.vector_store_idx %arg9[%get3A_128], %get3A_135 masked %lt3A_131 : memref<2048xf32, #tpu.memory_space<vmem>>[vector<16xi32>], vector<16xf32>, vector<16xi1>
    }
    %scan3A_51 = arith.constant 32 : i32
    %mul3A_52 = arith.constant 256 : i32
    %mul3A_53 = arith.muli %select_n3A_30, %mul3A_52 : i32
    %mul3A_54 = arith.constant 256 : i32
    %mul3A_55 = arith.muli %select_n3A_30, %mul3A_54 : i32
    %dma_start3A_56 = tpu.memref_slice %arg8[%mul3A_53] : memref<2048xi32, #tpu.memory_space<vmem>> -> memref<256xi32, #tpu.memory_space<vmem>>
    %dma_start3A_57 = tpu.memref_slice %arg4[%select_n3A, %mul3A_55] : memref<4x2048xi32, #tpu.memory_space<hbm>> -> memref<1x256xi32, #tpu.memory_space<hbm>>
    %dma_start3A_58 = tpu.memref_squeeze %dma_start3A_57 : memref<1x256xi32, #tpu.memory_space<hbm>> -> memref<256xi32, #tpu.memory_space<hbm>>
    %dma_start3A_59 = tpu.memref_slice %arg4[%select_n3A, %mul3A_55] : memref<4x2048xi32, #tpu.memory_space<hbm>> -> memref<1x256xi32, #tpu.memory_space<hbm>>
    %dma_start3A_60 = tpu.memref_squeeze %dma_start3A_59 : memref<1x256xi32, #tpu.memory_space<hbm>> -> memref<256xi32, #tpu.memory_space<hbm>>
    %dma_start3A_61 = tpu.memref_slice %arg8[%mul3A_53] : memref<2048xi32, #tpu.memory_space<vmem>> -> memref<256xi32, #tpu.memory_space<vmem>>
    tpu.enqueue_dma source(%dma_start3A_61 : memref<256xi32, #tpu.memory_space<vmem>>) target(%dma_start3A_60 : memref<256xi32, #tpu.memory_space<hbm>>) target_semaphore(%arg10 : memref<!tpu.dma_semaphore, #tpu.memory_space<semaphore_mem>>)
    %mul3A_62 = arith.constant 256 : i32
    %mul3A_63 = arith.muli %select_n3A_30, %mul3A_62 : i32
    %mul3A_64 = arith.constant 256 : i32
    %mul3A_65 = arith.muli %select_n3A_30, %mul3A_64 : i32
    %dma_start3A_66 = tpu.memref_slice %arg9[%mul3A_63] : memref<2048xf32, #tpu.memory_space<vmem>> -> memref<256xf32, #tpu.memory_space<vmem>>
    %dma_start3A_67 = tpu.memref_slice %arg5[%select_n3A, %mul3A_65] : memref<4x2048xf32, #tpu.memory_space<hbm>> -> memref<1x256xf32, #tpu.memory_space<hbm>>
    %dma_start3A_68 = tpu.memref_squeeze %dma_start3A_67 : memref<1x256xf32, #tpu.memory_space<hbm>> -> memref<256xf32, #tpu.memory_space<hbm>>
    %dma_start3A_69 = tpu.memref_slice %arg5[%select_n3A, %mul3A_65] : memref<4x2048xf32, #tpu.memory_space<hbm>> -> memref<1x256xf32, #tpu.memory_space<hbm>>
    %dma_start3A_70 = tpu.memref_squeeze %dma_start3A_69 : memref<1x256xf32, #tpu.memory_space<hbm>> -> memref<256xf32, #tpu.memory_space<hbm>>
    %dma_start3A_71 = tpu.memref_slice %arg9[%mul3A_63] : memref<2048xf32, #tpu.memory_space<vmem>> -> memref<256xf32, #tpu.memory_space<vmem>>
    tpu.enqueue_dma source(%dma_start3A_71 : memref<256xf32, #tpu.memory_space<vmem>>) target(%dma_start3A_70 : memref<256xf32, #tpu.memory_space<hbm>>) target_semaphore(%arg10 : memref<!tpu.dma_semaphore, #tpu.memory_space<semaphore_mem>>)
    %dma_wait3A_72 = tpu.memref_slice %arg8[%mul3A_53] : memref<2048xi32, #tpu.memory_space<vmem>> -> memref<256xi32, #tpu.memory_space<vmem>>
    %dma_wait3A_73 = tpu.memref_slice %arg4[%select_n3A, %mul3A_55] : memref<4x2048xi32, #tpu.memory_space<hbm>> -> memref<1x256xi32, #tpu.memory_space<hbm>>
    %dma_wait3A_74 = tpu.memref_squeeze %dma_wait3A_73 : memref<1x256xi32, #tpu.memory_space<hbm>> -> memref<256xi32, #tpu.memory_space<hbm>>
    %dma_wait3A_75 = tpu.memref_slice %arg4[%select_n3A, %mul3A_55] : memref<4x2048xi32, #tpu.memory_space<hbm>> -> memref<1x256xi32, #tpu.memory_space<hbm>>
    %dma_wait3A_76 = tpu.memref_squeeze %dma_wait3A_75 : memref<1x256xi32, #tpu.memory_space<hbm>> -> memref<256xi32, #tpu.memory_space<hbm>>
    %dma_wait3A_77 = tpu.memref_slice %arg8[%mul3A_53] : memref<2048xi32, #tpu.memory_space<vmem>> -> memref<256xi32, #tpu.memory_space<vmem>>
    tpu.wait_dma2 semaphore(%arg10 : memref<!tpu.dma_semaphore, #tpu.memory_space<semaphore_mem>>) src(%dma_wait3A_77 : memref<256xi32, #tpu.memory_space<vmem>>) dst(%dma_wait3A_76 : memref<256xi32, #tpu.memory_space<hbm>>)
    %dma_wait3A_78 = tpu.memref_slice %arg9[%mul3A_63] : memref<2048xf32, #tpu.memory_space<vmem>> -> memref<256xf32, #tpu.memory_space<vmem>>
    %dma_wait3A_79 = tpu.memref_slice %arg5[%select_n3A, %mul3A_65] : memref<4x2048xf32, #tpu.memory_space<hbm>> -> memref<1x256xf32, #tpu.memory_space<hbm>>
    %dma_wait3A_80 = tpu.memref_squeeze %dma_wait3A_79 : memref<1x256xf32, #tpu.memory_space<hbm>> -> memref<256xf32, #tpu.memory_space<hbm>>
    %dma_wait3A_81 = tpu.memref_slice %arg5[%select_n3A, %mul3A_65] : memref<4x2048xf32, #tpu.memory_space<hbm>> -> memref<1x256xf32, #tpu.memory_space<hbm>>
    %dma_wait3A_82 = tpu.memref_squeeze %dma_wait3A_81 : memref<1x256xf32, #tpu.memory_space<hbm>> -> memref<256xf32, #tpu.memory_space<hbm>>
    %dma_wait3A_83 = tpu.memref_slice %arg9[%mul3A_63] : memref<2048xf32, #tpu.memory_space<vmem>> -> memref<256xf32, #tpu.memory_space<vmem>>
    tpu.wait_dma2 semaphore(%arg10 : memref<!tpu.dma_semaphore, #tpu.memory_space<semaphore_mem>>) src(%dma_wait3A_83 : memref<256xf32, #tpu.memory_space<vmem>>) dst(%dma_wait3A_82 : memref<256xf32, #tpu.memory_space<hbm>>)
    return
  }
}

module attributes {stable_mosaic.version = 14 : i64} {
  func.func @_fused_body(%arg0: i32, %arg1: i32, %arg2: memref<1xf32, #tpu.memory_space<smem>>, %arg3: memref<3x256x1xf32, #tpu.memory_space<vmem>>, %arg4: memref<1x3x512x2048xf32, #tpu.memory_space<vmem>>, %arg5: memref<4xi32, #tpu.memory_space<smem>>, %arg6: memref<1x512x256xf32, #tpu.memory_space<vmem>>, %arg7: memref<1x2048x256xf32, #tpu.memory_space<vmem>>, %arg8: memref<2048xf32, #tpu.memory_space<vmem>>, %arg9: memref<2048xi32, #tpu.memory_space<vmem>>, %arg10: memref<1x512x256xf32, #tpu.memory_space<vmem>>, %arg11: memref<2x1x2048xf32, #tpu.memory_space<vmem>>, %arg12: memref<2048x1xf32, #tpu.memory_space<vmem>>, %arg13: memref<6144x1xbf16, #tpu.memory_space<vmem>>) attributes {dimension_semantics = [#tpu.dimension_semantics<arbitrary>, #tpu.dimension_semantics<arbitrary>], iteration_bounds = array<i64: 5, 4>, scalar_prefetch = 0 : i64, scratch_operands = 3 : i64, tpu.core_type = #tpu.core_type<tc>, window_params = [{transform_indices = @transform_0, window_bounds = array<i64: 1>}, {pipeline_mode = #tpu.pipeline_mode<synchronous>, transform_indices = @transform_1, window_bounds = array<i64: 3, 256, 1>}, {transform_indices = @transform_2, window_bounds = array<i64: 1, 3, 512, 2048>}, {transform_indices = @transform_3, window_bounds = array<i64: 4>}, {transform_indices = @transform_4, window_bounds = array<i64: 1, 512, 256>}, {transform_indices = @transform_5, window_bounds = array<i64: 1, 2048, 256>}, {transform_indices = @transform_6, window_bounds = array<i64: 2048>}, {transform_indices = @transform_7, window_bounds = array<i64: 2048>}, {transform_indices = @transform_8, window_bounds = array<i64: 1, 512, 256>}]} {
    %lt3A = arith.constant 4 : i32
    %lt3A_0 = arith.cmpi slt, %arg0, %lt3A : i32
    %eq3A = arith.constant 0 : i32
    %eq3A_1 = arith.cmpi eq, %arg1, %eq3A : i32
    %and3A = arith.andi %lt3A_0, %eq3A_1 : i1
    %convert_element_type3A = arith.extui %and3A : i1 to i32
    %cond3A = arith.constant 0 : i32
    %cond3A_2 = arith.cmpi ne, %convert_element_type3A, %cond3A : i32
    scf.if %cond3A_2 {
      %get3A = arith.constant 0 : index
      %get3A_12 = arith.constant 0 : index
      %get3A_13 = arith.constant 0 : index
      %get3A_14 = vector.load %arg3[%get3A, %get3A_12, %get3A_13] : memref<3x256x1xf32, #tpu.memory_space<vmem>>, vector<3x256x1xf32>
      %get3A_15 = vector.shape_cast %get3A_14 : vector<3x256x1xf32> to vector<3x256xf32>
      %transpose3A = tpu.transpose %get3A_15, [1, 0] : vector<3x256xf32> -> vector<256x3xf32>
      %convert_element_type3A_16 = arith.truncf %transpose3A : vector<256x3xf32> to vector<256x3xbf16>
      %get3A_17 = arith.constant 0 : index
      %get3A_18 = arith.constant 0 : index
      %get3A_19 = arith.constant 0 : index
      %get3A_20 = vector.load %arg7[%get3A_17, %get3A_18, %get3A_19] : memref<1x2048x256xf32, #tpu.memory_space<vmem>>, vector<1x2048x256xf32>
      %get3A_21 = vector.shape_cast %get3A_20 : vector<1x2048x256xf32> to vector<2048x256xf32>
      %dot_general3A = arith.constant dense<0.000000e+00> : vector<2048x3xf32>
      %dot_general3A_22 = tpu.matmul %get3A_21, %convert_element_type3A_16, %dot_general3A {dimension_numbers = #tpu.dot_dimension_numbers<[1], [0], [0], [1], [0, 0, 1, 1], [], []>, transpose_lhs_hint = false} : vector<2048x256xf32>, vector<256x3xbf16>, vector<2048x3xf32> -> vector<2048x3xf32>
      %convert_element_type3A_23 = arith.truncf %dot_general3A_22 : vector<2048x3xf32> to vector<2048x3xbf16>
      %slice3A = vector.extract_strided_slice %convert_element_type3A_23 {offsets = [0, 0], sizes = [2048, 1], strides = [1, 1]} : vector<2048x3xbf16> to vector<2048x1xbf16>
      %slice3A_24 = vector.extract_strided_slice %convert_element_type3A_23 {offsets = [0, 1], sizes = [2048, 1], strides = [1, 1]} : vector<2048x3xbf16> to vector<2048x1xbf16>
      %slice3A_25 = vector.extract_strided_slice %convert_element_type3A_23 {offsets = [0, 2], sizes = [2048, 1], strides = [1, 1]} : vector<2048x3xbf16> to vector<2048x1xbf16>
      %concatenate3A = tpu.concatenate %slice3A, %slice3A_24, %slice3A_25 in 0 : vector<2048x1xbf16>, vector<2048x1xbf16>, vector<2048x1xbf16> -> vector<6144x1xbf16>
      %swap3A = arith.constant 0 : index
      %swap3A_26 = arith.constant 0 : index
      %swap3A_27 = vector.load %arg13[%swap3A, %swap3A_26] : memref<6144x1xbf16, #tpu.memory_space<vmem>>, vector<6144x1xbf16>
      tpu.vector_store %arg13[%swap3A, %swap3A_26], %concatenate3A {strides = array<i32>} : memref<6144x1xbf16, #tpu.memory_space<vmem>>, vector<6144x1xbf16>,
    } else {
    }
    %gt3A = arith.constant 0 : i32
    %gt3A_3 = arith.cmpi sgt, %arg0, %gt3A : i32
    %convert_element_type3A_4 = arith.extui %gt3A_3 : i1 to i32
    %cond3A_5 = arith.constant 0 : i32
    %cond3A_6 = arith.cmpi ne, %convert_element_type3A_4, %cond3A_5 : i32
    scf.if %cond3A_6 {
      %sub3A = arith.constant 1 : i32
      %sub3A_12 = arith.subi %arg0, %sub3A : i32
      %jit3A = arith.constant 2 : i32
      %eq3A_13 = arith.constant 0 : i32
      %eq3A_14 = arith.cmpi eq, %jit3A, %eq3A_13 : i32
      %jit3A_15 = arith.constant 1 : i32
      %select_n3A = arith.select %eq3A_14, %jit3A_15, %jit3A : i32
      %rem3A = arith.remsi %sub3A_12, %select_n3A : i32
      %ne3A = arith.constant 0 : i32
      %ne3A_16 = arith.cmpi ne, %rem3A, %ne3A : i32
      %lt3A_17 = arith.constant 0 : i32
      %lt3A_18 = arith.cmpi slt, %rem3A, %lt3A_17 : i32
      %lt3A_19 = arith.constant 0 : i32
      %lt3A_20 = arith.cmpi slt, %select_n3A, %lt3A_19 : i32
      %ne3A_21 = arith.xori %lt3A_18, %lt3A_20 : i1
      %and3A_22 = arith.andi %ne3A_21, %ne3A_16 : i1
      %add3A = arith.addi %rem3A, %select_n3A : i32
      %select_n3A_23 = arith.select %and3A_22, %add3A, %rem3A : i32
      %get3A = arith.index_cast %select_n3A_23 : i32 to index
      %get3A_24 = arith.constant 0 : index
      %get3A_25 = arith.constant 0 : index
      %get3A_26 = vector.load %arg11[%get3A, %get3A_24, %get3A_25] : memref<2x1x2048xf32, #tpu.memory_space<vmem>>, vector<1x1x2048xf32>
      %get3A_27 = vector.shape_cast %get3A_26 : vector<1x1x2048xf32> to vector<1x2048xf32>
      %mul3A = arith.constant 512 : i32
      %mul3A_28 = arith.muli %arg1, %mul3A : i32
      %get3A_29 = arith.index_cast %mul3A_28 : i32 to index
      %get3A_30 = arith.constant 0 : index
      %get3A_31 = vector.load %arg12[%get3A_29, %get3A_30] : memref<2048x1xf32, #tpu.memory_space<vmem>>, vector<512x1xf32>
      %iota3A = tpu.iota {dimensions = array<i32: 1>} : vector<512x2048xi32>
      %iota3A_32 = tpu.iota {dimensions = array<i32: 0>} : vector<512x2048xi32>
      %mul3A_33 = arith.constant 512 : i32
      %mul3A_34 = arith.muli %arg1, %mul3A_33 : i32
      %add3A_35 = vector.broadcast %mul3A_34 : i32 to vector<512x2048xi32>
      %add3A_36 = arith.addi %iota3A_32, %add3A_35 : vector<512x2048xi32>
      %gt3A_37 = vector.broadcast %get3A_27 : vector<1x2048xf32> to vector<512x2048xf32>
      %gt3A_38 = vector.broadcast %get3A_31 : vector<512x1xf32> to vector<512x2048xf32>
      %gt3A_39 = arith.cmpf ogt, %gt3A_37, %gt3A_38 : vector<512x2048xf32>
      %eq3A_40 = vector.broadcast %get3A_27 : vector<1x2048xf32> to vector<512x2048xf32>
      %eq3A_41 = vector.broadcast %get3A_31 : vector<512x1xf32> to vector<512x2048xf32>
      %eq3A_42 = arith.cmpf oeq, %eq3A_40, %eq3A_41 : vector<512x2048xf32>
      %lt3A_43 = arith.cmpi slt, %iota3A, %add3A_36 : vector<512x2048xi32>
      %and3A_44 = arith.andi %eq3A_42, %lt3A_43 : vector<512x2048xi1>
      %or3A = arith.ori %gt3A_39, %and3A_44 : vector<512x2048xi1>
      %broadcast_in_dim3A = arith.constant 1.000000e+00 : f32
      %broadcast_in_dim3A_45 = vector.broadcast %broadcast_in_dim3A : f32 to vector<2048x1xf32>
      %convert_element_type3A_46 = arith.extui %or3A : vector<512x2048xi1> to vector<512x2048xi32>
      %convert_element_type3A_47 = arith.sitofp %convert_element_type3A_46 : vector<512x2048xi32> to vector<512x2048xf32>
      %dot_general3A = arith.constant dense<0.000000e+00> : vector<512x1xf32>
      %dot_general3A_48 = tpu.matmul %convert_element_type3A_47, %broadcast_in_dim3A_45, %dot_general3A {dimension_numbers = #tpu.dot_dimension_numbers<[1], [0], [0], [1], [0, 0, 1, 1], [], []>, transpose_lhs_hint = false} : vector<512x2048xf32>, vector<2048x1xf32>, vector<512x1xf32> -> vector<512x1xf32>
      %convert_element_type3A_49 = arith.fptosi %dot_general3A_48 : vector<512x1xf32> to vector<512x1xi32>
      %sub3A_50 = arith.constant 1 : i32
      %sub3A_51 = arith.subi %arg0, %sub3A_50 : i32
      %get3A_52 = arith.index_cast %sub3A_51 : i32 to index
      %get3A_53 = memref.load %arg5[%get3A_52] : memref<4xi32, #tpu.memory_space<smem>>
      %add3A_54 = arith.constant 1 : i32
      %add3A_55 = arith.addi %get3A_53, %add3A_54 : i32
      %jit3A_56 = arith.constant 2 : i32
      %div3A = arith.divsi %add3A_55, %jit3A_56 : i32
      %sign3A = arith.constant 0 : i32
      %sign3A_57 = arith.cmpi sgt, %add3A_55, %sign3A : i32
      %sign3A_58 = arith.extui %sign3A_57 : i1 to i32
      %sign3A_59 = arith.constant 0 : i32
      %sign3A_60 = arith.cmpi slt, %add3A_55, %sign3A_59 : i32
      %sign3A_61 = arith.extui %sign3A_60 : i1 to i32
      %sign3A_62 = arith.subi %sign3A_58, %sign3A_61 : i32
      %sign3A_63 = arith.constant 0 : i32
      %sign3A_64 = arith.cmpi sgt, %jit3A_56, %sign3A_63 : i32
      %sign3A_65 = arith.extui %sign3A_64 : i1 to i32
      %sign3A_66 = arith.constant 0 : i32
      %sign3A_67 = arith.cmpi slt, %jit3A_56, %sign3A_66 : i32
      %sign3A_68 = arith.extui %sign3A_67 : i1 to i32
      %sign3A_69 = arith.subi %sign3A_65, %sign3A_68 : i32
      %ne3A_70 = arith.cmpi ne, %sign3A_62, %sign3A_69 : i32
      %rem3A_71 = arith.remsi %add3A_55, %jit3A_56 : i32
      %ne3A_72 = arith.constant 0 : i32
      %ne3A_73 = arith.cmpi ne, %rem3A_71, %ne3A_72 : i32
      %and3A_74 = arith.andi %ne3A_70, %ne3A_73 : i1
      %sub3A_75 = arith.constant 1 : i32
      %sub3A_76 = arith.subi %div3A, %sub3A_75 : i32
      %select_n3A_77 = arith.select %and3A_74, %sub3A_76, %div3A : i32
      %lt3A_78 = vector.broadcast %select_n3A_77 : i32 to vector<512x1xi32>
      %lt3A_79 = arith.cmpi slt, %convert_element_type3A_49, %lt3A_78 : vector<512x1xi32>
      %jit3A_80 = arith.constant 2048 : i32
      %broadcast_in_dim3A_81 = vector.broadcast %jit3A_80 : i32 to vector<512x1xi32>
      %select_n3A_82 = arith.select %lt3A_79, %convert_element_type3A_49, %broadcast_in_dim3A_81 : vector<512x1xi1>, vector<512x1xi32>
      %reshape3A = vector.shape_cast %select_n3A_82 : vector<512x1xi32> to vector<512xi32>
      %mul3A_83 = arith.constant 512 : i32
      %mul3A_84 = arith.muli %arg1, %mul3A_83 : i32
      %swap3A = arith.index_cast %mul3A_84 : i32 to index
      %swap3A_85 = vector.load %arg9[%swap3A] : memref<2048xi32, #tpu.memory_space<vmem>>, vector<512xi32>
      tpu.vector_store %arg9[%swap3A], %reshape3A {strides = array<i32>} : memref<2048xi32, #tpu.memory_space<vmem>>, vector<512xi32>,
      %jit3A_86 = arith.constant 0.000000e+00 : f32
      %broadcast_in_dim3A_87 = vector.broadcast %jit3A_86 : f32 to vector<512x1xf32>
      %select_n3A_88 = arith.select %lt3A_79, %get3A_31, %broadcast_in_dim3A_87 : vector<512x1xi1>, vector<512x1xf32>
      %get3A_89 = arith.constant 0 : index
      %get3A_90 = arith.constant 0 : index
      %get3A_91 = arith.constant 0 : index
      %get3A_92 = vector.load %arg6[%get3A_89, %get3A_90, %get3A_91] : memref<1x512x256xf32, #tpu.memory_space<vmem>>, vector<1x512x256xf32>
      %get3A_93 = vector.shape_cast %get3A_92 : vector<1x512x256xf32> to vector<512x256xf32>
      %mul3A_94 = vector.broadcast %select_n3A_88 : vector<512x1xf32> to vector<512x256xf32>
      %mul3A_95 = arith.mulf %get3A_93, %mul3A_94 : vector<512x256xf32>
      %swap3A_96 = arith.constant 0 : index
      %swap3A_97 = arith.constant 0 : index
      %swap3A_98 = arith.constant 0 : index
      %swap3A_99 = vector.load %arg10[%swap3A_96, %swap3A_97, %swap3A_98] : memref<1x512x256xf32, #tpu.memory_space<vmem>>, vector<1x512x256xf32>
      %swap3A_100 = vector.shape_cast %swap3A_99 : vector<1x512x256xf32> to vector<512x256xf32>
      %swap3A_101 = vector.shape_cast %mul3A_95 : vector<512x256xf32> to vector<1x512x256xf32>
      tpu.vector_store %arg10[%swap3A_96, %swap3A_97, %swap3A_98], %swap3A_101 {strides = array<i32>} : memref<1x512x256xf32, #tpu.memory_space<vmem>>, vector<1x512x256xf32>,
    } else {
    }
    %lt3A_7 = arith.constant 4 : i32
    %lt3A_8 = arith.cmpi slt, %arg0, %lt3A_7 : i32
    %convert_element_type3A_9 = arith.extui %lt3A_8 : i1 to i32
    %cond3A_10 = arith.constant 0 : i32
    %cond3A_11 = arith.cmpi ne, %convert_element_type3A_9, %cond3A_10 : i32
    scf.if %cond3A_11 {
      %get3A = arith.constant 0 : index
      %get3A_12 = arith.constant 0 : index
      %get3A_13 = arith.constant 0 : index
      %get3A_14 = arith.constant 0 : index
      %get3A_15 = vector.load %arg4[%get3A, %get3A_12, %get3A_13, %get3A_14] : memref<1x3x512x2048xf32, #tpu.memory_space<vmem>>, vector<1x3x512x2048xf32>
      %get3A_16 = vector.shape_cast %get3A_15 : vector<1x3x512x2048xf32> to vector<3x512x2048xf32>
      %slice3A = vector.extract_strided_slice %get3A_16 {offsets = [0, 0, 0], sizes = [1, 512, 2048], strides = [1, 1, 1]} : vector<3x512x2048xf32> to vector<1x512x2048xf32>
      %squeeze3A = vector.shape_cast %slice3A : vector<1x512x2048xf32> to vector<512x2048xf32>
      %slice3A_17 = vector.extract_strided_slice %get3A_16 {offsets = [1, 0, 0], sizes = [1, 512, 2048], strides = [1, 1, 1]} : vector<3x512x2048xf32> to vector<1x512x2048xf32>
      %squeeze3A_18 = vector.shape_cast %slice3A_17 : vector<1x512x2048xf32> to vector<512x2048xf32>
      %slice3A_19 = vector.extract_strided_slice %get3A_16 {offsets = [2, 0, 0], sizes = [1, 512, 2048], strides = [1, 1, 1]} : vector<3x512x2048xf32> to vector<1x512x2048xf32>
      %squeeze3A_20 = vector.shape_cast %slice3A_19 : vector<1x512x2048xf32> to vector<512x2048xf32>
      %concatenate3A = tpu.concatenate %squeeze3A, %squeeze3A_18, %squeeze3A_20 in 1 : vector<512x2048xf32>, vector<512x2048xf32>, vector<512x2048xf32> -> vector<512x6144xf32>
      %get3A_21 = arith.constant 0 : index
      %get3A_22 = arith.constant 0 : index
      %get3A_23 = vector.load %arg13[%get3A_21, %get3A_22] : memref<6144x1xbf16, #tpu.memory_space<vmem>>, vector<6144x1xbf16>
      %dot_general3A = arith.constant dense<0.000000e+00> : vector<512x1xf32>
      %dot_general3A_24 = tpu.matmul %concatenate3A, %get3A_23, %dot_general3A {dimension_numbers = #tpu.dot_dimension_numbers<[1], [0], [0], [1], [0, 0, 1, 1], [], []>, transpose_lhs_hint = false} : vector<512x6144xf32>, vector<6144x1xbf16>, vector<512x1xf32> -> vector<512x1xf32>
      %get3A_25 = arith.constant 0 : index
      %get3A_26 = memref.load %arg2[%get3A_25] : memref<1xf32, #tpu.memory_space<smem>>
      %add3A = vector.broadcast %get3A_26 : f32 to vector<512x1xf32>
      %add3A_27 = arith.addf %dot_general3A_24, %add3A : vector<512x1xf32>
      %tanh3A = math.tanh %add3A_27 : vector<512x1xf32>
      %reshape3A = vector.shape_cast %tanh3A : vector<512x1xf32> to vector<512xf32>
      %mul3A = arith.constant 512 : i32
      %mul3A_28 = arith.muli %arg1, %mul3A : i32
      %swap3A = arith.index_cast %mul3A_28 : i32 to index
      %swap3A_29 = vector.load %arg8[%swap3A] : memref<2048xf32, #tpu.memory_space<vmem>>, vector<512xf32>
      tpu.vector_store %arg8[%swap3A], %reshape3A {strides = array<i32>} : memref<2048xf32, #tpu.memory_space<vmem>>, vector<512xf32>,
      %jit3A = arith.constant 2 : i32
      %eq3A_30 = arith.constant 0 : i32
      %eq3A_31 = arith.cmpi eq, %jit3A, %eq3A_30 : i32
      %jit3A_32 = arith.constant 1 : i32
      %select_n3A = arith.select %eq3A_31, %jit3A_32, %jit3A : i32
      %rem3A = arith.remsi %arg0, %select_n3A : i32
      %ne3A = arith.constant 0 : i32
      %ne3A_33 = arith.cmpi ne, %rem3A, %ne3A : i32
      %lt3A_34 = arith.constant 0 : i32
      %lt3A_35 = arith.cmpi slt, %rem3A, %lt3A_34 : i32
      %lt3A_36 = arith.constant 0 : i32
      %lt3A_37 = arith.cmpi slt, %select_n3A, %lt3A_36 : i32
      %ne3A_38 = arith.xori %lt3A_35, %lt3A_37 : i1
      %and3A_39 = arith.andi %ne3A_38, %ne3A_33 : i1
      %add3A_40 = arith.addi %rem3A, %select_n3A : i32
      %select_n3A_41 = arith.select %and3A_39, %add3A_40, %rem3A : i32
      %mul3A_42 = arith.constant 512 : i32
      %mul3A_43 = arith.muli %arg1, %mul3A_42 : i32
      %swap3A_44 = arith.index_cast %select_n3A_41 : i32 to index
      %swap3A_45 = arith.constant 0 : index
      %swap3A_46 = arith.index_cast %mul3A_43 : i32 to index
      %swap3A_47 = vector.load %arg11[%swap3A_44, %swap3A_45, %swap3A_46] : memref<2x1x2048xf32, #tpu.memory_space<vmem>>, vector<1x1x512xf32>
      %swap3A_48 = vector.shape_cast %swap3A_47 : vector<1x1x512xf32> to vector<512xf32>
      %swap3A_49 = vector.shape_cast %reshape3A : vector<512xf32> to vector<1x1x512xf32>
      tpu.vector_store %arg11[%swap3A_44, %swap3A_45, %swap3A_46], %swap3A_49 {strides = array<i32>} : memref<2x1x2048xf32, #tpu.memory_space<vmem>>, vector<1x1x512xf32>,
      %mul3A_50 = arith.constant 512 : i32
      %mul3A_51 = arith.muli %arg1, %mul3A_50 : i32
      %swap3A_52 = arith.index_cast %mul3A_51 : i32 to index
      %swap3A_53 = arith.constant 0 : index
      %swap3A_54 = vector.load %arg12[%swap3A_52, %swap3A_53] : memref<2048x1xf32, #tpu.memory_space<vmem>>, vector<512x1xf32>
      tpu.vector_store %arg12[%swap3A_52, %swap3A_53], %tanh3A {strides = array<i32>} : memref<2048x1xf32, #tpu.memory_space<vmem>>, vector<512x1xf32>,
    } else {
    }
    return
  }
  func.func @transform_0(%arg0: i32, %arg1: i32) -> i32 {
    %c0_i32 = arith.constant 0 : i32
    %c0_i32_0 = arith.constant 0 : i32
    return %c0_i32 : i32
  }
  func.func @transform_1(%arg0: i32, %arg1: i32) -> (i32, i32, i32) {
    %c0_i32 = arith.constant 0 : i32
    %c0_i32_0 = arith.constant 0 : i32
    %c0_i32_1 = arith.constant 0 : i32
    %c0_i32_2 = arith.constant 0 : i32
    return %c0_i32, %c0_i32_0, %c0_i32_1 : i32, i32, i32
  }
  func.func @transform_2(%arg0: i32, %arg1: i32) -> (i32, i32, i32, i32) {
    %min3A = arith.constant 3 : i32
    %min3A_0 = arith.minsi %arg0, %min3A : i32
    %eq3A = arith.constant 4 : i32
    %eq3A_1 = arith.cmpi eq, %arg0, %eq3A : i32
    %jit3A = arith.constant 3 : i32
    %select_n3A = arith.select %eq3A_1, %jit3A, %arg1 : i32
    %c0_i32 = arith.constant 0 : i32
    %c0_i32_2 = arith.constant 0 : i32
    %c0_i32_3 = arith.constant 0 : i32
    return %min3A_0, %c0_i32, %select_n3A, %c0_i32_2 : i32, i32, i32, i32
  }
  func.func @transform_3(%arg0: i32, %arg1: i32) -> i32 {
    %c0_i32 = arith.constant 0 : i32
    %c0_i32_0 = arith.constant 0 : i32
    return %c0_i32 : i32
  }
  func.func @transform_4(%arg0: i32, %arg1: i32) -> (i32, i32, i32) {
    %sub3A = arith.constant 1 : i32
    %sub3A_0 = arith.subi %arg0, %sub3A : i32
    %max3A = arith.constant 0 : i32
    %max3A_1 = arith.maxsi %sub3A_0, %max3A : i32
    %eq3A = arith.constant 0 : i32
    %eq3A_2 = arith.cmpi eq, %arg0, %eq3A : i32
    %jit3A = arith.constant 0 : i32
    %select_n3A = arith.select %eq3A_2, %jit3A, %arg1 : i32
    %c0_i32 = arith.constant 0 : i32
    %c0_i32_3 = arith.constant 0 : i32
    return %max3A_1, %select_n3A, %c0_i32 : i32, i32, i32
  }
  func.func @transform_5(%arg0: i32, %arg1: i32) -> (i32, i32, i32) {
    %min3A = arith.constant 3 : i32
    %min3A_0 = arith.minsi %arg0, %min3A : i32
    %c0_i32 = arith.constant 0 : i32
    %c0_i32_1 = arith.constant 0 : i32
    %c0_i32_2 = arith.constant 0 : i32
    return %min3A_0, %c0_i32, %c0_i32_1 : i32, i32, i32
  }
  func.func @transform_6(%arg0: i32, %arg1: i32) -> i32 {
    %min3A = arith.constant 3 : i32
    %min3A_0 = arith.minsi %arg0, %min3A : i32
    %c0_i32 = arith.constant 0 : i32
    return %min3A_0 : i32
  }
  func.func @transform_7(%arg0: i32, %arg1: i32) -> i32 {
    %sub3A = arith.constant 1 : i32
    %sub3A_0 = arith.subi %arg0, %sub3A : i32
    %max3A = arith.constant 0 : i32
    %max3A_1 = arith.maxsi %sub3A_0, %max3A : i32
    %c0_i32 = arith.constant 0 : i32
    return %max3A_1 : i32
  }
  func.func @transform_8(%arg0: i32, %arg1: i32) -> (i32, i32, i32) {
    %sub3A = arith.constant 1 : i32
    %sub3A_0 = arith.subi %arg0, %sub3A : i32
    %max3A = arith.constant 0 : i32
    %max3A_1 = arith.maxsi %sub3A_0, %max3A : i32
    %eq3A = arith.constant 0 : i32
    %eq3A_2 = arith.cmpi eq, %arg0, %eq3A : i32
    %jit3A = arith.constant 0 : i32
    %select_n3A = arith.select %eq3A_2, %jit3A, %arg1 : i32
    %c0_i32 = arith.constant 0 : i32
    %c0_i32_3 = arith.constant 0 : i32
    return %max3A_1, %select_n3A, %c0_i32 : i32, i32, i32
  }
}

</mosaic_0001>

<sc_bundles>
// kernel: kernel.4.cloned.1.call-start
scs
__scs_entry_jumppad:
0x0: {  	(pc) =	sbr.rel $0x88, $3  }
0x1: {  	(tag) =	ssettag $0x0;
	lr =	simm.s32 $0x1  }
0x2: {  	[smem:$0x3F9C] =	sst lr;
	_ =	strace $0xD0000000  }
0x3: {  	_ = 	snop  }
0x4: {  	_ = 	snop  }
0x5: {  	_ = 	snop  }
0x6: {  	_ = 	snop  }
0x7: {  	_ = 	snop  }
__scs_overlays_trampoline_lowered:
0x8: {  	[smem:$0x3FAB] =	sst s0  }
0x9: {  	[smem:$0x3FAC] =	sst s1  }
0xa: {  	[smem:$0x3FAD] =	sst s2  }
0xb: {  	[smem:$0x3FAE] =	sst s3  }
0xc: {  	[smem:$0x3FAF] =	sst s4  }
0xd: {  	[smem:$0x3FB0] =	sst s5  }
0xe: {  	[smem:$0x3FB1] =	sst s6  }
0xf: {  	[smem:$0x3FB2] =	sst s7  }
0x10: {  	[smem:$0x3FB3] =	sst s8  }
0x11: {  	[smem:$0x3FB4] =	sst s9;
	s0 =	simm.s32 @!p0 $0x0  }
0x12: {  	s1 =	sld [smem:$0x3F9A];
	s0 =	simm.s32 @p0 $0x1  }
0x13: {  	[smem:$0x3FB5] =	sst s0;
	s0 =	simm.s32 @!p1 $0x0  }
0x14: {  	s2 =	sld [smem:$0x3F99];
	s0 =	simm.s32 @p1 $0x1  }
0x15: {  	[smem:$0x3FB6] =	sst s0;
	s0 =	simm.s32 @!p2 $0x0  }
0x16: {  	s3 =	sld [smem:$0x3FDB];
	s0 =	simm.s32 @p2 $0x1  }
0x17: {  	s4 =	simm.s32 $0x1BF5;
	[smem:$0x3FB8] =	sst s0  }
0x18: {  	s0 =	sld [smem:$0x3F9B];
	_ =	swait.ge [sflag:s4], $0x0  }
0x19: {  	s7 =	sld [smem:$0x3F9C]  }
0x1a: {  	s8 =	sadd.s32 $0xFFFFE003, lr  }
0x1b: {  	s9 =	sadd.s32 $0xFFFFFEF7, lr;
	s5 =	simm.s32 $0xFFFFFFFF;
	p2 =	slt.u32 s8, $0xFFFFF086  }
0x1c: {  	p1 =	slt.u32 s9, $0xF7A;
	s5 =	simm.s32 @!p2 $0x0  }
0x1d: {  	s5 =	simm.s32 @p1 $0x1;
	p0 =	seq.s32 s7, s2  }
0x1e: {  	s7 =	smul.u32 @!p0 $0xF7A, s2;
	p2 =	seq.s32 @!p0 s5, $0x0  }
0x1f: {  	s9 =	smul.u32 $0xF7A, s1;
	s8 =	simm.s32 @!p0 $0x1BF5;
	p2 =	por !p2, p0  }
0x20: {  	[sflag:s8] =	ssyncset.s32 @!p0 $0xFFFFF086;
	s6 =	sadd.s32 @!p0 s3, s7;
	s7 =	simm.s32 @!p0 $0x108  }
0x21: {  	s3 =	sadd.s32 s3, s9;
	s6 =	sadd.s32 @!p0 $0x88, s6;
	s7 =	simm.s32 @p2 $0x1082  }
0x22: {  	[simem:s7], [sflag:s8] =	dma.local @!p0 [hbm:s6], $0xF7A  }
0x23: {  	s9 =	sor.u32 $0xD0000000, s2;
	s6 =	simm.s32 $0x108;
	_ =	swait.ge @!p0 [sflag:s8], $0x0  }
0x24: {  	s3 =	sadd.s32 $0x88, s3;
	s6 =	simm.s32 @!p1 $0x1082;
	[sflag:s4] =	ssyncset.s32 $0xFFFFF086  }
0x25: {  	[simem:s6], [sflag:s4] =	dma.local [hbm:s3], $0xF7A  }
0x26: {  	[smem:$0x3F9C] =	sst s1;
	(tag) =	ssettag s2;
	_ =	strace s9  }
0x27: {  	s1 =	sld [smem:$0x3FAC]  }
0x28: {  	s2 =	sld [smem:$0x3FAD]  }
0x29: {  	s4 =	sld [smem:$0x3FAF]  }
0x2a: {  	p0 =	seq.s32 s5, $0x0;
	s5 =	sld [smem:$0x3FB0]  }
0x2b: {  	s6 =	sld [smem:$0x3FB1]  }
0x2c: {  	s7 =	sld [smem:$0x3FB2]  }
0x2d: {  	s3 =	simm.s32 $0x108;
	s8 =	sld [smem:$0x3FB3]  }
0x2e: {  	s3 =	simm.s32 @!p0 $0x1082;
	s9 =	sld [smem:$0x3FB4]  }
0x2f: {  	lr =	sadd.s32 s0, s3;
	s0 =	sld [smem:$0x3FAB]  }
0x30: {  	s3 =	sld [smem:$0x3FAE]  }
0x31: {  	[smem:$0x3FB7] =	sst s10  }
0x32: {  	s10 =	sld [smem:$0x3FB5];
	_ =	sdelay $0x3  }
0x33: {  	p0 =	seq.s32 s10, $0x1;
	s10 =	sld [smem:$0x3FB7];
	_ =	sdelay $0x3  }
0x34: {  	[smem:$0x3FB7] =	sst s10  }
0x35: {  	s10 =	sld [smem:$0x3FB6];
	_ =	sdelay $0x3  }
0x36: {  	p1 =	seq.s32 s10, $0x1;
	s10 =	sld [smem:$0x3FB7];
	_ =	sdelay $0x3  }
0x37: {  	[smem:$0x3FB7] =	sst s10  }
0x38: {  	s10 =	sld [smem:$0x3FB8]  }
0x39: {  	_ = 	snop;
	(pc) =	sbr.ind lr, $3  }
0x3a: {  	_ = 	snop  }
0x3b: {  	_ = 	snop  }
0x3c: {  	p2 =	seq.s32 s10, $0x1;
	s10 =	sld [smem:$0x3FB7]  }
0x3d: {  	_ =	shalt  }
0x3e: {  	_ =	shalt  }
0x3f: {  	_ =	shalt  }
0x40: {  	_ =	shalt  }
0x41: {  	_ =	shalt  }
0x42: {  	_ =	shalt  }
0x43: {  	_ =	shalt  }
0x44: {  	_ =	shalt  }
0x45: {  	_ =	shalt  }
0x46: {  	_ =	shalt  }
0x47: {  	_ =	shalt  }
0x48: {  	_ =	shalt  }
0x49: {  	_ =	shalt  }
0x4a: {  	_ =	shalt  }
0x4b: {  	_ =	shalt  }
0x4c: {  	_ =	shalt  }
0x4d: {  	_ =	shalt  }
0x4e: {  	_ =	shalt  }
0x4f: {  	_ =	shalt  }
0x50: {  	_ =	shalt  }
0x51: {  	_ =	shalt  }
0x52: {  	_ =	shalt  }
0x53: {  	_ =	shalt  }
0x54: {  	_ =	shalt  }
0x55: {  	_ =	shalt  }
0x56: {  	_ =	shalt  }
0x57: {  	_ =	shalt  }
0x58: {  	_ =	shalt  }
0x59: {  	_ =	shalt  }
0x5a: {  	_ =	shalt  }
0x5b: {  	_ =	shalt  }
0x5c: {  	_ =	shalt  }
0x5d: {  	_ =	shalt  }
0x5e: {  	_ =	shalt  }
0x5f: {  	_ =	shalt  }
0x60: {  	_ =	shalt  }
0x61: {  	_ =	shalt  }
0x62: {  	_ =	shalt  }
0x63: {  	_ =	shalt  }
0x64: {  	_ =	shalt  }
0x65: {  	_ =	shalt  }
0x66: {  	_ =	shalt  }
0x67: {  	_ =	shalt  }
0x68: {  	_ =	shalt  }
0x69: {  	_ =	shalt  }
0x6a: {  	_ =	shalt  }
0x6b: {  	_ =	shalt  }
0x6c: {  	_ =	shalt  }
0x6d: {  	_ =	shalt  }
0x6e: {  	_ =	shalt  }
0x6f: {  	_ =	shalt  }
0x70: {  	_ =	shalt  }
0x71: {  	_ =	shalt  }
0x72: {  	_ =	shalt  }
0x73: {  	_ =	shalt  }
0x74: {  	_ =	shalt  }
0x75: {  	_ =	shalt  }
0x76: {  	_ =	shalt  }
0x77: {  	_ =	shalt  }
0x78: {  	_ =	shalt  }
0x79: {  	_ =	shalt  }
0x7a: {  	_ =	shalt  }
0x7b: {  	_ =	shalt  }
0x7c: {  	_ =	shalt  }
0x7d: {  	_ =	shalt  }
0x7e: {  	_ =	shalt  }
0x7f: {  	_ =	shalt  }
0x80: {  	_ =	shalt  }
0x81: {  	_ =	shalt  }
0x82: {  	_ =	shalt  }
0x83: {  	_ =	shalt  }
0x84: {  	_ =	shalt  }
0x85: {  	_ =	shalt  }
0x86: {  	_ =	shalt  }
0x87: {  	_ =	shalt  }
.Lfunc_end0:
.L_simem_size_0:
called_computation_lowered:
.L_overlay_start_0:
0x88: {  	s2 =	sld [smem:$0x3FD9]  }
0x89: {  	s3 =	sld [smem:$0x3FFE];
	_ =	sdelay $0x1  }
0x8a: {  	s1 =	srdreg.scid  }
0x8b: {  	s0 =	sand.u32 $0x1, s1  }
0x8c: {  	s14 =	sshll.u32 s0, $0xA;
	s2 =	sadd.s32 s3, s2  }
0x8d: {  	s2 =	sadd.s32 s2, s14  }
0x8e: {  	[smem:$0x3FC3] =	sst s2  }
0x8f: {  	_ = 	snop  }
0x90: {  	s2 =	sld [smem:$0x3FD0];
	_ =	sdelay $0x2  }
0x91: {  	s15 =	simm.s32 $0xA;
	s4 =	simm.s32 $0x10  }
0x92: {  	[smem:s4], [sflag:s15] =	dma.local [hbm:s2], $0x1  }
0x93: {  	_ =	swait.eq [sflag:s15], $0x1  }
0x94: {  	[sflag:s15] =	ssyncset.done $0x0  }
0x95: {  	s16 =	sld [smem:$0x12];
	[sflag:s15] =	ssyncadd.s32 $0xFFFFFFFF  }
0x96: {  	s17 =	sld [smem:$0x13];
	(tm) =	ssettm $0x1  }
0x97: {  	s18 =	sld [smem:$0x3FFB];
	_ =	sdelay $0x3  }
0x98: {  	_ =	strace s18  }
0x99: {  	s4 =	sld [smem:$0x3FFC];
	_ =	sdelay $0x3  }
0x9a: {  	_ =	strace s4  }
0x9b: {  	s4 =	sld [smem:$0x3FFD];
	_ =	sdelay $0x3  }
0x9c: {  	_ =	strace s4  }
0x9d: {  	_ =	strace $0x8FFFFFFF  }
0x9e: {  	s19 =	sld [smem:$0x3FDB];
	_ =	sdelay $0x1  }
0x9f: {  	s5 =	simm.s32 $_scs_section_size  }
0xa0: {  	s6 =	simm.s32 $_size__tile_overlayer_lowered;
	s7 =	simm.s32 $_tile_overlayer_lowered  }
0xa1: {  	s22 =	simm.s32 $0x1BFF;
	s21 =	sshll.u32 s7, $0x1;
	s4 =	sadd.s32 s5, s19  }
0xa2: {  	s8 =	simm.s32 $0x0;
	s20 =	sshll.u32 s6, $0x1;
	s6 =	sadd.s32 s21, s4  }
0xa3: {  	[timem:s8], [sflag:s22] =	dma.local [hbm:s6], s20  }
0xa4: {  	_ =	swait.ge [sflag:s22], s20  }
0xa5: {  	s5 =	ssub.s32 $0x0, s20;
	[sflag:s22] =	ssyncset.done $0x0  }
0xa6: {  	[sflag:s22] =	ssyncadd.s32 s5;
	_ =	sdelay $0x1  }
0xa7: {  	s23 =	simm.s32 $0x1B8B  }
0xa8: {  	_ =	swait.ge [sflag:s23], $0x1  }
0xa9: {  	[sflag:s23] =	ssyncset.done $0x0  }
0xaa: {  	s25 =	simm.s32 $0x1B8E;
	s24 =	sld [smem:$0x3FFE];
	[sflag:s23] =	ssyncadd.s32 $0xFFFFFFFF  }
0xab: {  	s26 =	simm.s32 $execute0_lowered;
	[smem:$0x3FD2] =	sst s25  }
0xac: {  	s6 =	sshll.u32 s26, $0x1;
	_ =	strace $0x80000046;
	[dreg:$0x1] =	wrdreg $0xFFFFFFFF  }
0xad: {  	s28 =	simm.s32 $_size_execute0_lowered;
	s4 =	sadd.s32 s4, s6;
	[dreg:$0x0] =	wrdreg $0x0  }
0xae: {  	s6 =	sshll.u32 s28, $0x1;
	[dreg:$0x2] =	wrdreg s4  }
0xaf: {  	[dreg:$0x3] =	wrdreg s6  }
0xb0: {  	[dreg:$0x4] =	wrdreg $0xC0  }
0xb1: {  	_ =	task [dreg:s8], $0x5FFFF  }
0xb2: {  	[dreg:$0x1] =	wrdreg $0xFFFFFFFF  }
0xb3: {  	[dreg:$0x0] =	wrdreg $0x60  }
0xb4: {  	[dreg:$0x2] =	wrdreg s24  }
0xb5: {  	[dreg:$0x3] =	wrdreg s16  }
0xb6: {  	[dreg:$0x4] =	wrdreg s17  }
0xb7: {  	[dreg:$0x5] =	wrdreg $0x9  }
0xb8: {  	_ =	task.clear_ibuf [dreg:s8], $0x6FFFF;
	_ =	strace $0x90000046  }
0xb9: {  	s29 =	simm.s32 $0x9;
	_ =	strace $0x80000048  }
0xba: {  	_ =	swait.ge [sflag:s29], $0x1  }
0xbb: {  	[sflag:s29] =	ssyncadd.s32 $0xFFFFFFFF  }
0xbc: {  	_ =	strace $0x90000048  }
0xbd: {  	_ =	sfence  }
0xbe: {  	s30 =	sld [smem:$0x0];
	_ =	sdelay $0x2  }
0xbf: {  	s31 =	sshll.u32 s1, $0xD;
	s1 =	sshrl.u32 s1, $0x2  }
0xc0: {  	s3 =	sand.u32 $0x4000, s31;
	s1 =	sadd.s32 s1, s30  }
0xc1: {  	s0 =	sor.u32 s3, s0;
	s1 =	sshll.u32 s1, $0x11  }
0xc2: {  	s0 =	sor.u32 s1, s0  }
0xc3: {  	s0 =	sadd.s32 $0x8F2B, s0  }
0xc4: {  	[sflag:s0] =	ssyncadd.remote.s32 $0x1  }
0xc5: {  	_ =	sfence.sel $0xFFFF  }
0xc6: {  	[dreg:$0x0] =	wrdreg $0xFFFFFFFF;
	(pc) =	sbr.abs _section_cstart, $3  }
0xc7: {  	[dreg:$0x1] =	wrdreg $0xFFFFFFFF  }
0xc8: {  	_ =	task.clear_ibuf [dreg:s8], $0x2FFFF;
	_ =	strace $0x9FFFFFFF  }
0xc9: {  	(tm) =	ssettm $0x7FFFFFFF  }
tec
execute0_lowered:
.L_overlay_start_1:
0x0: {  	(tag) =	ssettag $0x1  }
0x1: {  	s3 =	rddreg [dreg:$0x0]  }
0x2: {  	s5 =	rddreg [dreg:$0x1]  }
0x3: {  	s7 =	rddreg [dreg:$0x2]  }
0x4: {  	s0 =	rddreg [dreg:$0x3]  }
0x5: {  	s2 =	simm.s32 $0x0;
	s4 =	srdreg.scid;
	s1 =	stileid.u32  }
0x6: {  	s12 =	simm.s32 $0x1000;
	s13 =	simm.s32 $0x1800;
	s14 =	simm.s32 $0x80  }
0x7: {  	s15 =	simm.s32 $0x200;
	s16 =	simm.s32 $0x0;
	[smem:$0x7FF] =	sst s2  }
0x8: {  	s4 =	sand.u32 $0x1, s4;
	s6 =	sshrl.u32 s1, $0x2;
	s9 =	sshll.u32 s1, $0x1  }
0x9: {  	_ =	strace $0x80000047;
	s8 =	ssub.s32 $0x2, s4;
	s10 =	sshll.u32 s6, $0x8  }
0xa: {  	s9 =	sand.u32 $0x6, s9;
	s6 =	sshll.u32 s6, $0x4;
	s11 =	sshrl.u32 s8, $0x1  }
0xb: {  	s10 =	sadd.s32 s10, s3;
	s31 =	sor.u32 s4, s9;
	s11 =	ssub.s32 s8, s11  }
0xc: {  	s3 =	sadd.s32 $0x1200, s10;
	s9 =	sshll.u32 s31, $0x7;
	s4 =	sadd.s32 $0x1600, s10  }
0xd: {  	s8 =	sshll.u32 s31, $0x8;
	s10 =	simm.s32 $0x800;
	s9 =	sor.u32 s6, s9  }
0xe: {  	s6 =	sor.u32 $0x1000, s8;
	s8 =	sor.u32 $0x1800, s8;
	s5 =	sadd.s32 s5, s9  }
0xf: {  	v0 =	vimm.s32 $0xFFFFFFFF;
	v1 =	vimm.f32 $0.0e+00;
	v2 =	vlaneseq.u32;
	s7 =	sadd.s32 s7, s9;
	s9 =	smax.u32 s11, $0x1;
	s11 =	simm.s32 $0x1  }
.LBB2_1:
0x10: {  	[tilespmem:s2], [sflag:$0x1] =	stream.linear.gather [hbm4b:s3+s2], $0x800, $0x38;
	[tilespmem:$0x2000] =	vst v63  }
0x11: {  	s17 =	simm.s32 $0x40;
	s18 =	simm.s32 $0x0  }
0x12: {  	[tilespmem:s10], [sflag:$0x1] =	stream.linear.gather [hbm4b:s4+s2], $0x800, $0x38;
	[tilespmem:$0x2000] =	vst v63  }
.LBB2_2:
0x13: {  	p0 =	sne.s32 s17, $0x1FC0;
	[tilespmem:s18+$0x1000] =	vst v0;
	s19 =	smov.u32 s17;
	s17 =	sadd.s32 $0x40, s17  }
.Ltmp0:
0x14: {  	[tilespmem:s18+$0x1800] =	vst v1;
	(pc) =	sbr.rel @p0 .LBB2_2-.Ltmp0, $2  }
0x15: {  	_ =	sdelay $0x2  }
0x16: {  	s18 =	sshra.s32 s19, $0x2  }
0x17: {  	[tilespmem:s18+$0x1000] =	vst v0  }
0x18: {  	[tilespmem:s18+$0x1800] =	vst v1  }
0x19: {  	_ =	swait.ge [sflag:s11], $0x800  }
0x1a: {  	[sflag:s11] =	ssyncset.done $0x0  }
0x1b: {  	[sflag:s11] =	ssyncadd.s32 $0xFFFFF800  }
0x1c: {  	_ =	swait.ge [sflag:s11], $0x800  }
0x1d: {  	s17 =	simm.s32 $0x0;
	[sflag:s11] =	ssyncset.done $0x0  }
0x1e: {  	s18 =	simm.s32 $0x20;
	s19 =	simm.s32 $0x820;
	[sflag:s11] =	ssyncadd.s32 $0xFFFFF800  }
.LBB2_4:
0x1f: {  	v3 =	vld [tilespmem:s18+$0xFFFFFFE0];
	_ =	sdelay $0x4  }
0x20: {  	vm0 =	vlt.s32 v3, $0x800;
	_ =	sdelay $0x4  }
0x21: {  	v4 =	vor.u32 s17, v2  }
0x22: {  	[tilespmem:v3+s12+$0x0] =	vst.idx.msk vm0, v4  }
0x23: {  	v4 =	vld [tilespmem:s19+$0xFFFFFFE0];
	_ =	sdelay $0x4  }
0x24: {  	[tilespmem:v3+s13+$0x0] =	vst.idx.msk vm0, v4  }
0x25: {  	v3 =	vld [tilespmem:s18+$0xFFFFFFF0];
	_ =	sdelay $0x4  }
0x26: {  	vm13 =	vlt.s32 v3, $0x800;
	_ =	sdelay $0x3  }
0x27: {  	s20 =	sadd.s32 $0x10, s17  }
0x28: {  	v61 =	vor.u32 s20, v2  }
0x29: {  	[tilespmem:v3+s12+$0x0] =	vst.idx.msk vm13, v61  }
0x2a: {  	v4 =	vld [tilespmem:s19+$0xFFFFFFF0];
	_ =	sdelay $0x4  }
0x2b: {  	[tilespmem:v3+s13+$0x0] =	vst.idx.msk vm13, v4  }
0x2c: {  	v3 =	vld [tilespmem:s18+$0x0];
	_ =	sdelay $0x4  }
0x2d: {  	vm14 =	vlt.s32 v3, $0x800;
	_ =	sdelay $0x3  }
0x2e: {  	s30 =	sadd.s32 $0x20, s17  }
0x2f: {  	v62 =	vor.u32 s30, v2  }
0x30: {  	[tilespmem:v3+s12+$0x0] =	vst.idx.msk vm14, v62  }
0x31: {  	v4 =	vld [tilespmem:s19+$0x0];
	_ =	sdelay $0x4  }
0x32: {  	[tilespmem:v3+s13+$0x0] =	vst.idx.msk vm14, v4  }
0x33: {  	v3 =	vld [tilespmem:s18+$0x10];
	_ =	sdelay $0x4  }
0x34: {  	vm15 =	vlt.s32 v3, $0x800;
	_ =	sdelay $0x3  }
0x35: {  	s31 =	sadd.s32 $0x30, s17  }
0x36: {  	v63 =	vor.u32 s31, v2  }
0x37: {  	[tilespmem:v3+s12+$0x0] =	vst.idx.msk vm15, v63  }
0x38: {  	p0 =	sne.s32 s17, $0x7C0;
	v4 =	vld [tilespmem:s19+$0x10]  }
.Ltmp1:
0x39: {  	_ = 	snop;
	(pc) =	sbr.rel @p0 .LBB2_4-.Ltmp1, $2  }
0x3a: {  	_ =	sdelay $0x2  }
0x3b: {  	s17 =	sadd.s32 $0x40, s17;
	s18 =	sadd.s32 $0x40, s18;
	s19 =	sadd.s32 $0x40, s19;
	[tilespmem:v3+s13+$0x0] =	vst.idx.msk vm15, v4  }
0x3c: {  	[hbm4b:s5+s14] =	stream.strided.scatter [tilespmem:s6], [sflag:$0x1], $0x100, s15, s14, $0x38;
	[tilespmem:$0x2000] =	vst v63  }
0x3d: {  	s16 =	sadd.s32 $0x1, s16  }
0x3e: {  	[hbm4b:s7+s14] =	stream.strided.scatter [tilespmem:s8], [sflag:$0x1], $0x100, s15, s14, $0x38;
	[tilespmem:$0x2000] =	vst v63  }
0x3f: {  	p0 =	sne.s32 s16, s9;
	_ =	swait.ge [sflag:s11], $0x100  }
.Ltmp2:
0x40: {  	[sflag:s11] =	ssyncset.done $0x0;
	(pc) =	sbr.rel @p0 .LBB2_1-.Ltmp2, $4  }
0x41: {  	[sflag:s11] =	ssyncadd.s32 $0xFFFFFF00  }
0x42: {  	_ =	swait.ge [sflag:s11], $0x100  }
0x43: {  	[sflag:s11] =	ssyncset.done $0x0  }
0x44: {  	[sflag:s11] =	ssyncadd.s32 $0xFFFFFF00  }
0x45: {  	_ =	sfence.sel $0x180000  }
0x46: {  	[bflag:$0x0] =	sbarrier.arrive $0xFFFF  }
0x47: {  	p0 =	sne.s32 s1, $0x0;
	_ =	strace $0x90000047  }
0x48: {  	s0 =	sadd.s32 @!p0 $0x100000, s0;
	[bflag:$0x2] =	sbarrier.arrive $0xFFFF  }
0x49: {  	[sflag:s0] =	ssyncadd.tile.s32 @!p0 $0x1;
	_ =	shalt  }
.Lfunc_end2:
_tile_overlayer_lowered:
.L_overlay_start_2:
0x4a: {  	(tag) =	ssettag $0x2  }
0x4b: {  	s0 =	rddreg [dreg:$0x0];
	s2 =	stileid.u32  }
0x4c: {  	s1 =	rddreg [dreg:$0x1];
	p0 =	sne.s32 s2, $0x0  }
0x4d: {  	s3 =	rddreg [dreg:$0x2];
	[bflag:$0x3] =	sbarrier.arrive $0xFFFF;
	s2 =	simm.s32 @!p0 $0x1C02  }
0x4e: {  	[timem:s3], [sflag:s2] =	dma.local @!p0 [hbm:s0], s1  }
0x4f: {  	s0 =	simm.s32 @!p0 $0x2  }
0x50: {  	_ =	swait.ge @!p0 [sflag:s0], s1  }
0x51: {  	s1 =	ssub.s32 @!p0 $0x0, s1;
	[sflag:s0] =	ssyncset.done @!p0 $0x0  }
0x52: {  	[sflag:s0] =	ssyncadd.s32 @!p0 s1  }
0x53: {  	[bflag:$0x3] =	sbarrier.arrive $0xFFFF  }
0x54: {  	_ =	shalt  }

</sc_bundles>
